<compile_context>
chip_gen: v7x
topology: tpu7x:2x2x1
jax: 0.10.2.dev20260603
libtpu: 0.0.44.dev20260713+nightly
codegen_flags: <defaults>
</compile_context>

<pallas_src>
import functools

import jax
import jax.numpy as jnp
from jax import lax
from jax.experimental import pallas as pl
from jax.experimental.pallas import tpu as pltpu
from jax.experimental.pallas import tpu_sc as plsc

BATCH = 4096
SEQ = 200
D = 32
TOKENS = BATCH * SEQ
NC, NS = 2, 16
NW = NC * NS
PER_W = TOKENS // NW
C = 800
NCHUNK = PER_W // C
SW = 80
NSTREAM = C // SW
REP = C // SEQ


def _embed_body(ids_hbm, tok_hbm, pos_hbm, out_hbm, idx_v, rows_v, pos_v, sem):
    wid = lax.axis_index("s") * NC + lax.axis_index("c")

    for t in range(REP):
        pltpu.sync_copy(pos_hbm, pos_v.at[pl.ds(t * SEQ, SEQ)])

    def chunk_body(g, carry):
        base = (wid * NCHUNK + g) * C
        pltpu.sync_copy(ids_hbm.at[pl.ds(base, C)], idx_v)
        descs = [
            pltpu.async_copy(
                tok_hbm.at[idx_v.at[pl.ds(j * SW, SW)]],
                rows_v.at[pl.ds(j * SW, SW)],
                sem,
            )
            for j in range(NSTREAM)
        ]
        for d in descs:
            d.wait()

        def add_body(i, c2):
            rows_v[i, pl.ds(0, 16)] = rows_v[i, pl.ds(0, 16)] + pos_v[i, pl.ds(0, 16)]
            rows_v[i, pl.ds(16, 16)] = rows_v[i, pl.ds(16, 16)] + pos_v[i, pl.ds(16, 16)]
            return c2

        lax.fori_loop(0, C, add_body, 0)
        pltpu.sync_copy(rows_v, out_hbm.at[pl.ds(base, C)])
        return carry

    lax.fori_loop(0, NCHUNK, chunk_body, 0)


@functools.partial(jax.jit, static_argnames=())
def _embed(ids_flat, token_table, position_table):
    f = pl.kernel(
        _embed_body,
        out_type=jax.ShapeDtypeStruct((TOKENS, D), jnp.float32),
        mesh=plsc.VectorSubcoreMesh(core_axis_name="c", subcore_axis_name="s"),
        scratch_types=[
            pltpu.VMEM((C,), jnp.int32),
            pltpu.VMEM((C, D), jnp.float32),
            pltpu.VMEM((C, D), jnp.float32),
            pltpu.SemaphoreType.DMA,
        ],
        compiler_params=pltpu.CompilerParams(use_tc_tiling_on_sc=False),
    )
    return f(ids_flat, token_table, position_table)


def kernel(input_ids, token_table, position_table):
    ids_flat = input_ids.reshape(-1).astype(jnp.int32)
    out = _embed(ids_flat, token_table, position_table)
    return out.reshape(BATCH, SEQ, D)

# --- scband reference (transcript-rebuilt; emitter-appended) ---
"""Pipeline reference for scband-text-embedding-12713103196403 (READ-ONLY COPY).

The authoritative reference and input builder live on the scoring server;
editing this copy changes nothing except your own understanding.
"""

import jax, jax.numpy as jnp
import numpy as np

N_VOCAB = 1000000
EMBED_DIM = 32
MAX_LEN = 200
BATCH = 4096
SEQ = 200

def setup_inputs(seed: int = 0) -> dict:
    key = jax.random.key(seed)
    k1, k2, k3 = jax.random.split(key, 3)
    input_ids = jax.random.randint(k1, (BATCH, SEQ), 0, N_VOCAB, dtype=jnp.int64 if jax.config.jax_enable_x64 else jnp.int32)
    token_table = jax.random.normal(k2, (N_VOCAB, EMBED_DIM), dtype=jnp.float32) * 0.02
    position_table = jax.random.normal(k3, (MAX_LEN, EMBED_DIM), dtype=jnp.float32) * 0.02
    return {"input_ids": input_ids, "token_table": token_table, "position_table": position_table}

def reference(input_ids, token_table, position_table):
    seq_length = input_ids.shape[-1]
    position_ids = jnp.arange(MAX_LEN)[None, :][:, :seq_length]
    input_embeds = jnp.take(token_table, input_ids, axis=0)
    position_embeds = jnp.take(position_table, position_ids, axis=0)
    embeddings = input_embeds + position_embeds
    return embeddings

if __name__ == "__main__":
    import jax
    _d = setup_inputs()
    print(jax.jit(kernel)(*tuple(_d.values())))

</pallas_src>

<mosaic_0001>
#map = affine_map<(d0, d1) -> (0)>
#map1 = affine_map<(d0, d1) -> (0, 0)>
module attributes {stable_mosaic.version = 14 : i64} {
  func.func @_embed_body(%arg0: i32, %arg1: i32, %arg2: memref<819200xi32, #tpu.memory_space<hbm>>, %arg3: memref<1000000x32xf32, #tpu.memory_space<hbm>>, %arg4: memref<200x32xf32, #tpu.memory_space<hbm>>, %arg5: memref<819200x32xf32, #tpu.memory_space<hbm>>, %arg6: memref<800xi32, #tpu.memory_space<vmem>>, %arg7: memref<800x32xf32, #tpu.memory_space<vmem>>, %arg8: memref<800x32xf32, #tpu.memory_space<vmem>>, %arg9: memref<!tpu.dma_semaphore, #tpu.memory_space<semaphore_mem>>) attributes {dimension_semantics = [#tpu.dimension_semantics<core_parallel>, #tpu.dimension_semantics<subcore_parallel>], iteration_bounds = array<i64: 2, 16>, scalar_prefetch = 0 : i64, scratch_operands = 4 : i64, tpu.core_type = #tpu.core_type<sc_vector_subcore>, window_params = [{transform_indices = #map}, {transform_indices = #map1}, {transform_indices = #map1}, {transform_indices = #map1}]} {
    %mul3A = arith.constant 2 : i32
    %mul3A_0 = arith.muli %arg1, %mul3A : i32
    %add3A = arith.addi %mul3A_0, %arg0 : i32
    "tpu.region"() ({
      %run_scoped3A = tpu.sem_alloc : memref<!tpu.dma_semaphore, #tpu.memory_space<semaphore_mem>>
      %dma_start3A = arith.constant 0 : i32
      %dma_start3A_6 = arith.constant 0 : i32
      %dma_start3A_7 = tpu.memref_slice %arg8[%dma_start3A, %dma_start3A_6] : memref<800x32xf32, #tpu.memory_space<vmem>> -> memref<200x32xf32, #tpu.memory_space<vmem>>
      %dma_start3A_8 = arith.constant 0 : i32
      %dma_start3A_9 = arith.constant 0 : i32
      %dma_start3A_10 = tpu.memref_slice %arg8[%dma_start3A_8, %dma_start3A_9] : memref<800x32xf32, #tpu.memory_space<vmem>> -> memref<200x32xf32, #tpu.memory_space<vmem>>
      tpu.enqueue_dma source(%arg4 : memref<200x32xf32, #tpu.memory_space<hbm>>) target(%dma_start3A_10 : memref<200x32xf32, #tpu.memory_space<vmem>>) target_semaphore(%run_scoped3A : memref<!tpu.dma_semaphore, #tpu.memory_space<semaphore_mem>>)
      %dma_wait3A = arith.constant 0 : i32
      %dma_wait3A_11 = arith.constant 0 : i32
      %dma_wait3A_12 = tpu.memref_slice %arg8[%dma_wait3A, %dma_wait3A_11] : memref<800x32xf32, #tpu.memory_space<vmem>> -> memref<200x32xf32, #tpu.memory_space<vmem>>
      %dma_wait3A_13 = arith.constant 0 : i32
      %dma_wait3A_14 = arith.constant 0 : i32
      %dma_wait3A_15 = tpu.memref_slice %arg8[%dma_wait3A_13, %dma_wait3A_14] : memref<800x32xf32, #tpu.memory_space<vmem>> -> memref<200x32xf32, #tpu.memory_space<vmem>>
      tpu.wait_dma2 semaphore(%run_scoped3A : memref<!tpu.dma_semaphore, #tpu.memory_space<semaphore_mem>>) src(%arg4 : memref<200x32xf32, #tpu.memory_space<hbm>>) dst(%dma_wait3A_15 : memref<200x32xf32, #tpu.memory_space<vmem>>)
      tpu.yield
    }) : () -> ()
    "tpu.region"() ({
      %run_scoped3A = tpu.sem_alloc : memref<!tpu.dma_semaphore, #tpu.memory_space<semaphore_mem>>
      %dma_start3A = arith.constant 200 : i32
      %dma_start3A_6 = arith.constant 0 : i32
      %dma_start3A_7 = tpu.memref_slice %arg8[%dma_start3A, %dma_start3A_6] : memref<800x32xf32, #tpu.memory_space<vmem>> -> memref<200x32xf32, #tpu.memory_space<vmem>>
      %dma_start3A_8 = arith.constant 200 : i32
      %dma_start3A_9 = arith.constant 0 : i32
      %dma_start3A_10 = tpu.memref_slice %arg8[%dma_start3A_8, %dma_start3A_9] : memref<800x32xf32, #tpu.memory_space<vmem>> -> memref<200x32xf32, #tpu.memory_space<vmem>>
      tpu.enqueue_dma source(%arg4 : memref<200x32xf32, #tpu.memory_space<hbm>>) target(%dma_start3A_10 : memref<200x32xf32, #tpu.memory_space<vmem>>) target_semaphore(%run_scoped3A : memref<!tpu.dma_semaphore, #tpu.memory_space<semaphore_mem>>)
      %dma_wait3A = arith.constant 200 : i32
      %dma_wait3A_11 = arith.constant 0 : i32
      %dma_wait3A_12 = tpu.memref_slice %arg8[%dma_wait3A, %dma_wait3A_11] : memref<800x32xf32, #tpu.memory_space<vmem>> -> memref<200x32xf32, #tpu.memory_space<vmem>>
      %dma_wait3A_13 = arith.constant 200 : i32
      %dma_wait3A_14 = arith.constant 0 : i32
      %dma_wait3A_15 = tpu.memref_slice %arg8[%dma_wait3A_13, %dma_wait3A_14] : memref<800x32xf32, #tpu.memory_space<vmem>> -> memref<200x32xf32, #tpu.memory_space<vmem>>
      tpu.wait_dma2 semaphore(%run_scoped3A : memref<!tpu.dma_semaphore, #tpu.memory_space<semaphore_mem>>) src(%arg4 : memref<200x32xf32, #tpu.memory_space<hbm>>) dst(%dma_wait3A_15 : memref<200x32xf32, #tpu.memory_space<vmem>>)
      tpu.yield
    }) : () -> ()
    "tpu.region"() ({
      %run_scoped3A = tpu.sem_alloc : memref<!tpu.dma_semaphore, #tpu.memory_space<semaphore_mem>>
      %dma_start3A = arith.constant 400 : i32
      %dma_start3A_6 = arith.constant 0 : i32
      %dma_start3A_7 = tpu.memref_slice %arg8[%dma_start3A, %dma_start3A_6] : memref<800x32xf32, #tpu.memory_space<vmem>> -> memref<200x32xf32, #tpu.memory_space<vmem>>
      %dma_start3A_8 = arith.constant 400 : i32
      %dma_start3A_9 = arith.constant 0 : i32
      %dma_start3A_10 = tpu.memref_slice %arg8[%dma_start3A_8, %dma_start3A_9] : memref<800x32xf32, #tpu.memory_space<vmem>> -> memref<200x32xf32, #tpu.memory_space<vmem>>
      tpu.enqueue_dma source(%arg4 : memref<200x32xf32, #tpu.memory_space<hbm>>) target(%dma_start3A_10 : memref<200x32xf32, #tpu.memory_space<vmem>>) target_semaphore(%run_scoped3A : memref<!tpu.dma_semaphore, #tpu.memory_space<semaphore_mem>>)
      %dma_wait3A = arith.constant 400 : i32
      %dma_wait3A_11 = arith.constant 0 : i32
      %dma_wait3A_12 = tpu.memref_slice %arg8[%dma_wait3A, %dma_wait3A_11] : memref<800x32xf32, #tpu.memory_space<vmem>> -> memref<200x32xf32, #tpu.memory_space<vmem>>
      %dma_wait3A_13 = arith.constant 400 : i32
      %dma_wait3A_14 = arith.constant 0 : i32
      %dma_wait3A_15 = tpu.memref_slice %arg8[%dma_wait3A_13, %dma_wait3A_14] : memref<800x32xf32, #tpu.memory_space<vmem>> -> memref<200x32xf32, #tpu.memory_space<vmem>>
      tpu.wait_dma2 semaphore(%run_scoped3A : memref<!tpu.dma_semaphore, #tpu.memory_space<semaphore_mem>>) src(%arg4 : memref<200x32xf32, #tpu.memory_space<hbm>>) dst(%dma_wait3A_15 : memref<200x32xf32, #tpu.memory_space<vmem>>)
      tpu.yield
    }) : () -> ()
    "tpu.region"() ({
      %run_scoped3A = tpu.sem_alloc : memref<!tpu.dma_semaphore, #tpu.memory_space<semaphore_mem>>
      %dma_start3A = arith.constant 600 : i32
      %dma_start3A_6 = arith.constant 0 : i32
      %dma_start3A_7 = tpu.memref_slice %arg8[%dma_start3A, %dma_start3A_6] : memref<800x32xf32, #tpu.memory_space<vmem>> -> memref<200x32xf32, #tpu.memory_space<vmem>>
      %dma_start3A_8 = arith.constant 600 : i32
      %dma_start3A_9 = arith.constant 0 : i32
      %dma_start3A_10 = tpu.memref_slice %arg8[%dma_start3A_8, %dma_start3A_9] : memref<800x32xf32, #tpu.memory_space<vmem>> -> memref<200x32xf32, #tpu.memory_space<vmem>>
      tpu.enqueue_dma source(%arg4 : memref<200x32xf32, #tpu.memory_space<hbm>>) target(%dma_start3A_10 : memref<200x32xf32, #tpu.memory_space<vmem>>) target_semaphore(%run_scoped3A : memref<!tpu.dma_semaphore, #tpu.memory_space<semaphore_mem>>)
      %dma_wait3A = arith.constant 600 : i32
      %dma_wait3A_11 = arith.constant 0 : i32
      %dma_wait3A_12 = tpu.memref_slice %arg8[%dma_wait3A, %dma_wait3A_11] : memref<800x32xf32, #tpu.memory_space<vmem>> -> memref<200x32xf32, #tpu.memory_space<vmem>>
      %dma_wait3A_13 = arith.constant 600 : i32
      %dma_wait3A_14 = arith.constant 0 : i32
      %dma_wait3A_15 = tpu.memref_slice %arg8[%dma_wait3A_13, %dma_wait3A_14] : memref<800x32xf32, #tpu.memory_space<vmem>> -> memref<200x32xf32, #tpu.memory_space<vmem>>
      tpu.wait_dma2 semaphore(%run_scoped3A : memref<!tpu.dma_semaphore, #tpu.memory_space<semaphore_mem>>) src(%arg4 : memref<200x32xf32, #tpu.memory_space<hbm>>) dst(%dma_wait3A_15 : memref<200x32xf32, #tpu.memory_space<vmem>>)
      tpu.yield
    }) : () -> ()
    %scan3A = arith.constant 0 : i32
    %scan3A_1 = arith.constant 0 : i32
    %scan3A_2 = arith.constant 32 : i32
    %scan3A_3 = arith.addi %scan3A_1, %scan3A_2 : i32
    %scan3A_4 = arith.constant 1 : i32
    scf.for %scan3A_6 = %scan3A_1 to %scan3A_3 step %scan3A_4  : i32 {
      %mul3A_7 = arith.constant 32 : i32
      %mul3A_8 = arith.muli %add3A, %mul3A_7 : i32
      %add3A_9 = arith.addi %mul3A_8, %scan3A_6 : i32
      %mul3A_10 = arith.constant 800 : i32
      %mul3A_11 = arith.muli %add3A_9, %mul3A_10 : i32
      "tpu.region"() ({
        %run_scoped3A = tpu.sem_alloc : memref<!tpu.dma_semaphore, #tpu.memory_space<semaphore_mem>>
        %dma_start3A_176 = tpu.memref_slice %arg2[%mul3A_11] : memref<819200xi32, #tpu.memory_space<hbm>> -> memref<800xi32, #tpu.memory_space<hbm>>
        %dma_start3A_177 = tpu.memref_slice %arg2[%mul3A_11] : memref<819200xi32, #tpu.memory_space<hbm>> -> memref<800xi32, #tpu.memory_space<hbm>>
        tpu.enqueue_dma source(%dma_start3A_177 : memref<800xi32, #tpu.memory_space<hbm>>) target(%arg6 : memref<800xi32, #tpu.memory_space<vmem>>) target_semaphore(%run_scoped3A : memref<!tpu.dma_semaphore, #tpu.memory_space<semaphore_mem>>)
        %dma_wait3A_178 = tpu.memref_slice %arg2[%mul3A_11] : memref<819200xi32, #tpu.memory_space<hbm>> -> memref<800xi32, #tpu.memory_space<hbm>>
        %dma_wait3A_179 = tpu.memref_slice %arg2[%mul3A_11] : memref<819200xi32, #tpu.memory_space<hbm>> -> memref<800xi32, #tpu.memory_space<hbm>>
        tpu.wait_dma2 semaphore(%run_scoped3A : memref<!tpu.dma_semaphore, #tpu.memory_space<semaphore_mem>>) src(%dma_wait3A_179 : memref<800xi32, #tpu.memory_space<hbm>>) dst(%arg6 : memref<800xi32, #tpu.memory_space<vmem>>)
        tpu.yield
      }) : () -> ()
      %dma_start3A = arith.constant 0 : i32
      %dma_start3A_12 = arith.constant 0 : i32
      %dma_start3A_13 = tpu.memref_slice %arg7[%dma_start3A, %dma_start3A_12] : memref<800x32xf32, #tpu.memory_space<vmem>> -> memref<80x32xf32, #tpu.memory_space<vmem>>
      %dma_start3A_14 = arith.constant 0 : i32
      %dma_start3A_15 = tpu.memref_slice %arg6[%dma_start3A_14] : memref<800xi32, #tpu.memory_space<vmem>> -> memref<80xi32, #tpu.memory_space<vmem>>
      %dma_start3A_16 = arith.constant 0 : i32
      %dma_start3A_17 = arith.constant 0 : i32
      %dma_start3A_18 = tpu.memref_slice %arg3[%dma_start3A_16, %dma_start3A_17] : memref<1000000x32xf32, #tpu.memory_space<hbm>> -> memref<1000000x32xf32, #tpu.memory_space<hbm>>
      tpu.enqueue_indirect_dma source(%dma_start3A_18 : memref<1000000x32xf32, #tpu.memory_space<hbm>>) target(%dma_start3A_13 : memref<80x32xf32, #tpu.memory_space<vmem>>) offsets(%dma_start3A_15 : memref<80xi32, #tpu.memory_space<vmem>>) semaphore(%arg9 : memref<!tpu.dma_semaphore, #tpu.memory_space<semaphore_mem>>)
      %dma_start3A_19 = arith.constant 80 : i32
      %dma_start3A_20 = arith.constant 0 : i32
      %dma_start3A_21 = tpu.memref_slice %arg7[%dma_start3A_19, %dma_start3A_20] : memref<800x32xf32, #tpu.memory_space<vmem>> -> memref<80x32xf32, #tpu.memory_space<vmem>>
      %dma_start3A_22 = arith.constant 80 : i32
      %dma_start3A_23 = tpu.memref_slice %arg6[%dma_start3A_22] : memref<800xi32, #tpu.memory_space<vmem>> -> memref<80xi32, #tpu.memory_space<vmem>>
      %dma_start3A_24 = arith.constant 0 : i32
      %dma_start3A_25 = arith.constant 0 : i32
      %dma_start3A_26 = tpu.memref_slice %arg3[%dma_start3A_24, %dma_start3A_25] : memref<1000000x32xf32, #tpu.memory_space<hbm>> -> memref<1000000x32xf32, #tpu.memory_space<hbm>>
      tpu.enqueue_indirect_dma source(%dma_start3A_26 : memref<1000000x32xf32, #tpu.memory_space<hbm>>) target(%dma_start3A_21 : memref<80x32xf32, #tpu.memory_space<vmem>>) offsets(%dma_start3A_23 : memref<80xi32, #tpu.memory_space<vmem>>) semaphore(%arg9 : memref<!tpu.dma_semaphore, #tpu.memory_space<semaphore_mem>>)
      %dma_start3A_27 = arith.constant 160 : i32
      %dma_start3A_28 = arith.constant 0 : i32
      %dma_start3A_29 = tpu.memref_slice %arg7[%dma_start3A_27, %dma_start3A_28] : memref<800x32xf32, #tpu.memory_space<vmem>> -> memref<80x32xf32, #tpu.memory_space<vmem>>
      %dma_start3A_30 = arith.constant 160 : i32
      %dma_start3A_31 = tpu.memref_slice %arg6[%dma_start3A_30] : memref<800xi32, #tpu.memory_space<vmem>> -> memref<80xi32, #tpu.memory_space<vmem>>
      %dma_start3A_32 = arith.constant 0 : i32
      %dma_start3A_33 = arith.constant 0 : i32
      %dma_start3A_34 = tpu.memref_slice %arg3[%dma_start3A_32, %dma_start3A_33] : memref<1000000x32xf32, #tpu.memory_space<hbm>> -> memref<1000000x32xf32, #tpu.memory_space<hbm>>
      tpu.enqueue_indirect_dma source(%dma_start3A_34 : memref<1000000x32xf32, #tpu.memory_space<hbm>>) target(%dma_start3A_29 : memref<80x32xf32, #tpu.memory_space<vmem>>) offsets(%dma_start3A_31 : memref<80xi32, #tpu.memory_space<vmem>>) semaphore(%arg9 : memref<!tpu.dma_semaphore, #tpu.memory_space<semaphore_mem>>)
      %dma_start3A_35 = arith.constant 240 : i32
      %dma_start3A_36 = arith.constant 0 : i32
      %dma_start3A_37 = tpu.memref_slice %arg7[%dma_start3A_35, %dma_start3A_36] : memref<800x32xf32, #tpu.memory_space<vmem>> -> memref<80x32xf32, #tpu.memory_space<vmem>>
      %dma_start3A_38 = arith.constant 240 : i32
      %dma_start3A_39 = tpu.memref_slice %arg6[%dma_start3A_38] : memref<800xi32, #tpu.memory_space<vmem>> -> memref<80xi32, #tpu.memory_space<vmem>>
      %dma_start3A_40 = arith.constant 0 : i32
      %dma_start3A_41 = arith.constant 0 : i32
      %dma_start3A_42 = tpu.memref_slice %arg3[%dma_start3A_40, %dma_start3A_41] : memref<1000000x32xf32, #tpu.memory_space<hbm>> -> memref<1000000x32xf32, #tpu.memory_space<hbm>>
      tpu.enqueue_indirect_dma source(%dma_start3A_42 : memref<1000000x32xf32, #tpu.memory_space<hbm>>) target(%dma_start3A_37 : memref<80x32xf32, #tpu.memory_space<vmem>>) offsets(%dma_start3A_39 : memref<80xi32, #tpu.memory_space<vmem>>) semaphore(%arg9 : memref<!tpu.dma_semaphore, #tpu.memory_space<semaphore_mem>>)
      %dma_start3A_43 = arith.constant 320 : i32
      %dma_start3A_44 = arith.constant 0 : i32
      %dma_start3A_45 = tpu.memref_slice %arg7[%dma_start3A_43, %dma_start3A_44] : memref<800x32xf32, #tpu.memory_space<vmem>> -> memref<80x32xf32, #tpu.memory_space<vmem>>
      %dma_start3A_46 = arith.constant 320 : i32
      %dma_start3A_47 = tpu.memref_slice %arg6[%dma_start3A_46] : memref<800xi32, #tpu.memory_space<vmem>> -> memref<80xi32, #tpu.memory_space<vmem>>
      %dma_start3A_48 = arith.constant 0 : i32
      %dma_start3A_49 = arith.constant 0 : i32
      %dma_start3A_50 = tpu.memref_slice %arg3[%dma_start3A_48, %dma_start3A_49] : memref<1000000x32xf32, #tpu.memory_space<hbm>> -> memref<1000000x32xf32, #tpu.memory_space<hbm>>
      tpu.enqueue_indirect_dma source(%dma_start3A_50 : memref<1000000x32xf32, #tpu.memory_space<hbm>>) target(%dma_start3A_45 : memref<80x32xf32, #tpu.memory_space<vmem>>) offsets(%dma_start3A_47 : memref<80xi32, #tpu.memory_space<vmem>>) semaphore(%arg9 : memref<!tpu.dma_semaphore, #tpu.memory_space<semaphore_mem>>)
      %dma_start3A_51 = arith.constant 400 : i32
      %dma_start3A_52 = arith.constant 0 : i32
      %dma_start3A_53 = tpu.memref_slice %arg7[%dma_start3A_51, %dma_start3A_52] : memref<800x32xf32, #tpu.memory_space<vmem>> -> memref<80x32xf32, #tpu.memory_space<vmem>>
      %dma_start3A_54 = arith.constant 400 : i32
      %dma_start3A_55 = tpu.memref_slice %arg6[%dma_start3A_54] : memref<800xi32, #tpu.memory_space<vmem>> -> memref<80xi32, #tpu.memory_space<vmem>>
      %dma_start3A_56 = arith.constant 0 : i32
      %dma_start3A_57 = arith.constant 0 : i32
      %dma_start3A_58 = tpu.memref_slice %arg3[%dma_start3A_56, %dma_start3A_57] : memref<1000000x32xf32, #tpu.memory_space<hbm>> -> memref<1000000x32xf32, #tpu.memory_space<hbm>>
      tpu.enqueue_indirect_dma source(%dma_start3A_58 : memref<1000000x32xf32, #tpu.memory_space<hbm>>) target(%dma_start3A_53 : memref<80x32xf32, #tpu.memory_space<vmem>>) offsets(%dma_start3A_55 : memref<80xi32, #tpu.memory_space<vmem>>) semaphore(%arg9 : memref<!tpu.dma_semaphore, #tpu.memory_space<semaphore_mem>>)
      %dma_start3A_59 = arith.constant 480 : i32
      %dma_start3A_60 = arith.constant 0 : i32
      %dma_start3A_61 = tpu.memref_slice %arg7[%dma_start3A_59, %dma_start3A_60] : memref<800x32xf32, #tpu.memory_space<vmem>> -> memref<80x32xf32, #tpu.memory_space<vmem>>
      %dma_start3A_62 = arith.constant 480 : i32
      %dma_start3A_63 = tpu.memref_slice %arg6[%dma_start3A_62] : memref<800xi32, #tpu.memory_space<vmem>> -> memref<80xi32, #tpu.memory_space<vmem>>
      %dma_start3A_64 = arith.constant 0 : i32
      %dma_start3A_65 = arith.constant 0 : i32
      %dma_start3A_66 = tpu.memref_slice %arg3[%dma_start3A_64, %dma_start3A_65] : memref<1000000x32xf32, #tpu.memory_space<hbm>> -> memref<1000000x32xf32, #tpu.memory_space<hbm>>
      tpu.enqueue_indirect_dma source(%dma_start3A_66 : memref<1000000x32xf32, #tpu.memory_space<hbm>>) target(%dma_start3A_61 : memref<80x32xf32, #tpu.memory_space<vmem>>) offsets(%dma_start3A_63 : memref<80xi32, #tpu.memory_space<vmem>>) semaphore(%arg9 : memref<!tpu.dma_semaphore, #tpu.memory_space<semaphore_mem>>)
      %dma_start3A_67 = arith.constant 560 : i32
      %dma_start3A_68 = arith.constant 0 : i32
      %dma_start3A_69 = tpu.memref_slice %arg7[%dma_start3A_67, %dma_start3A_68] : memref<800x32xf32, #tpu.memory_space<vmem>> -> memref<80x32xf32, #tpu.memory_space<vmem>>
      %dma_start3A_70 = arith.constant 560 : i32
      %dma_start3A_71 = tpu.memref_slice %arg6[%dma_start3A_70] : memref<800xi32, #tpu.memory_space<vmem>> -> memref<80xi32, #tpu.memory_space<vmem>>
      %dma_start3A_72 = arith.constant 0 : i32
      %dma_start3A_73 = arith.constant 0 : i32
      %dma_start3A_74 = tpu.memref_slice %arg3[%dma_start3A_72, %dma_start3A_73] : memref<1000000x32xf32, #tpu.memory_space<hbm>> -> memref<1000000x32xf32, #tpu.memory_space<hbm>>
      tpu.enqueue_indirect_dma source(%dma_start3A_74 : memref<1000000x32xf32, #tpu.memory_space<hbm>>) target(%dma_start3A_69 : memref<80x32xf32, #tpu.memory_space<vmem>>) offsets(%dma_start3A_71 : memref<80xi32, #tpu.memory_space<vmem>>) semaphore(%arg9 : memref<!tpu.dma_semaphore, #tpu.memory_space<semaphore_mem>>)
      %dma_start3A_75 = arith.constant 640 : i32
      %dma_start3A_76 = arith.constant 0 : i32
      %dma_start3A_77 = tpu.memref_slice %arg7[%dma_start3A_75, %dma_start3A_76] : memref<800x32xf32, #tpu.memory_space<vmem>> -> memref<80x32xf32, #tpu.memory_space<vmem>>
      %dma_start3A_78 = arith.constant 640 : i32
      %dma_start3A_79 = tpu.memref_slice %arg6[%dma_start3A_78] : memref<800xi32, #tpu.memory_space<vmem>> -> memref<80xi32, #tpu.memory_space<vmem>>
      %dma_start3A_80 = arith.constant 0 : i32
      %dma_start3A_81 = arith.constant 0 : i32
      %dma_start3A_82 = tpu.memref_slice %arg3[%dma_start3A_80, %dma_start3A_81] : memref<1000000x32xf32, #tpu.memory_space<hbm>> -> memref<1000000x32xf32, #tpu.memory_space<hbm>>
      tpu.enqueue_indirect_dma source(%dma_start3A_82 : memref<1000000x32xf32, #tpu.memory_space<hbm>>) target(%dma_start3A_77 : memref<80x32xf32, #tpu.memory_space<vmem>>) offsets(%dma_start3A_79 : memref<80xi32, #tpu.memory_space<vmem>>) semaphore(%arg9 : memref<!tpu.dma_semaphore, #tpu.memory_space<semaphore_mem>>)
      %dma_start3A_83 = arith.constant 720 : i32
      %dma_start3A_84 = arith.constant 0 : i32
      %dma_start3A_85 = tpu.memref_slice %arg7[%dma_start3A_83, %dma_start3A_84] : memref<800x32xf32, #tpu.memory_space<vmem>> -> memref<80x32xf32, #tpu.memory_space<vmem>>
      %dma_start3A_86 = arith.constant 720 : i32
      %dma_start3A_87 = tpu.memref_slice %arg6[%dma_start3A_86] : memref<800xi32, #tpu.memory_space<vmem>> -> memref<80xi32, #tpu.memory_space<vmem>>
      %dma_start3A_88 = arith.constant 0 : i32
      %dma_start3A_89 = arith.constant 0 : i32
      %dma_start3A_90 = tpu.memref_slice %arg3[%dma_start3A_88, %dma_start3A_89] : memref<1000000x32xf32, #tpu.memory_space<hbm>> -> memref<1000000x32xf32, #tpu.memory_space<hbm>>
      tpu.enqueue_indirect_dma source(%dma_start3A_90 : memref<1000000x32xf32, #tpu.memory_space<hbm>>) target(%dma_start3A_85 : memref<80x32xf32, #tpu.memory_space<vmem>>) offsets(%dma_start3A_87 : memref<80xi32, #tpu.memory_space<vmem>>) semaphore(%arg9 : memref<!tpu.dma_semaphore, #tpu.memory_space<semaphore_mem>>)
      %dma_wait3A = arith.constant 0 : i32
      %dma_wait3A_91 = arith.constant 0 : i32
      %dma_wait3A_92 = tpu.memref_slice %arg7[%dma_wait3A, %dma_wait3A_91] : memref<800x32xf32, #tpu.memory_space<vmem>> -> memref<80x32xf32, #tpu.memory_space<vmem>>
      %dma_wait3A_93 = arith.constant 0 : i32
      %dma_wait3A_94 = tpu.memref_slice %arg6[%dma_wait3A_93] : memref<800xi32, #tpu.memory_space<vmem>> -> memref<80xi32, #tpu.memory_space<vmem>>
      %dma_wait3A_95 = arith.constant 0 : i32
      %dma_wait3A_96 = arith.constant 0 : i32
      %dma_wait3A_97 = tpu.memref_slice %arg3[%dma_wait3A_95, %dma_wait3A_96] : memref<1000000x32xf32, #tpu.memory_space<hbm>> -> memref<1000000x32xf32, #tpu.memory_space<hbm>>
      tpu.wait_indirect_dma semaphore(%arg9 : memref<!tpu.dma_semaphore, #tpu.memory_space<semaphore_mem>>) src(%dma_wait3A_97 : memref<1000000x32xf32, #tpu.memory_space<hbm>>) dst(%dma_wait3A_92 : memref<80x32xf32, #tpu.memory_space<vmem>>)
      %dma_wait3A_98 = arith.constant 80 : i32
      %dma_wait3A_99 = arith.constant 0 : i32
      %dma_wait3A_100 = tpu.memref_slice %arg7[%dma_wait3A_98, %dma_wait3A_99] : memref<800x32xf32, #tpu.memory_space<vmem>> -> memref<80x32xf32, #tpu.memory_space<vmem>>
      %dma_wait3A_101 = arith.constant 80 : i32
      %dma_wait3A_102 = tpu.memref_slice %arg6[%dma_wait3A_101] : memref<800xi32, #tpu.memory_space<vmem>> -> memref<80xi32, #tpu.memory_space<vmem>>
      %dma_wait3A_103 = arith.constant 0 : i32
      %dma_wait3A_104 = arith.constant 0 : i32
      %dma_wait3A_105 = tpu.memref_slice %arg3[%dma_wait3A_103, %dma_wait3A_104] : memref<1000000x32xf32, #tpu.memory_space<hbm>> -> memref<1000000x32xf32, #tpu.memory_space<hbm>>
      tpu.wait_indirect_dma semaphore(%arg9 : memref<!tpu.dma_semaphore, #tpu.memory_space<semaphore_mem>>) src(%dma_wait3A_105 : memref<1000000x32xf32, #tpu.memory_space<hbm>>) dst(%dma_wait3A_100 : memref<80x32xf32, #tpu.memory_space<vmem>>)
      %dma_wait3A_106 = arith.constant 160 : i32
      %dma_wait3A_107 = arith.constant 0 : i32
      %dma_wait3A_108 = tpu.memref_slice %arg7[%dma_wait3A_106, %dma_wait3A_107] : memref<800x32xf32, #tpu.memory_space<vmem>> -> memref<80x32xf32, #tpu.memory_space<vmem>>
      %dma_wait3A_109 = arith.constant 160 : i32
      %dma_wait3A_110 = tpu.memref_slice %arg6[%dma_wait3A_109] : memref<800xi32, #tpu.memory_space<vmem>> -> memref<80xi32, #tpu.memory_space<vmem>>
      %dma_wait3A_111 = arith.constant 0 : i32
      %dma_wait3A_112 = arith.constant 0 : i32
      %dma_wait3A_113 = tpu.memref_slice %arg3[%dma_wait3A_111, %dma_wait3A_112] : memref<1000000x32xf32, #tpu.memory_space<hbm>> -> memref<1000000x32xf32, #tpu.memory_space<hbm>>
      tpu.wait_indirect_dma semaphore(%arg9 : memref<!tpu.dma_semaphore, #tpu.memory_space<semaphore_mem>>) src(%dma_wait3A_113 : memref<1000000x32xf32, #tpu.memory_space<hbm>>) dst(%dma_wait3A_108 : memref<80x32xf32, #tpu.memory_space<vmem>>)
      %dma_wait3A_114 = arith.constant 240 : i32
      %dma_wait3A_115 = arith.constant 0 : i32
      %dma_wait3A_116 = tpu.memref_slice %arg7[%dma_wait3A_114, %dma_wait3A_115] : memref<800x32xf32, #tpu.memory_space<vmem>> -> memref<80x32xf32, #tpu.memory_space<vmem>>
      %dma_wait3A_117 = arith.constant 240 : i32
      %dma_wait3A_118 = tpu.memref_slice %arg6[%dma_wait3A_117] : memref<800xi32, #tpu.memory_space<vmem>> -> memref<80xi32, #tpu.memory_space<vmem>>
      %dma_wait3A_119 = arith.constant 0 : i32
      %dma_wait3A_120 = arith.constant 0 : i32
      %dma_wait3A_121 = tpu.memref_slice %arg3[%dma_wait3A_119, %dma_wait3A_120] : memref<1000000x32xf32, #tpu.memory_space<hbm>> -> memref<1000000x32xf32, #tpu.memory_space<hbm>>
      tpu.wait_indirect_dma semaphore(%arg9 : memref<!tpu.dma_semaphore, #tpu.memory_space<semaphore_mem>>) src(%dma_wait3A_121 : memref<1000000x32xf32, #tpu.memory_space<hbm>>) dst(%dma_wait3A_116 : memref<80x32xf32, #tpu.memory_space<vmem>>)
      %dma_wait3A_122 = arith.constant 320 : i32
      %dma_wait3A_123 = arith.constant 0 : i32
      %dma_wait3A_124 = tpu.memref_slice %arg7[%dma_wait3A_122, %dma_wait3A_123] : memref<800x32xf32, #tpu.memory_space<vmem>> -> memref<80x32xf32, #tpu.memory_space<vmem>>
      %dma_wait3A_125 = arith.constant 320 : i32
      %dma_wait3A_126 = tpu.memref_slice %arg6[%dma_wait3A_125] : memref<800xi32, #tpu.memory_space<vmem>> -> memref<80xi32, #tpu.memory_space<vmem>>
      %dma_wait3A_127 = arith.constant 0 : i32
      %dma_wait3A_128 = arith.constant 0 : i32
      %dma_wait3A_129 = tpu.memref_slice %arg3[%dma_wait3A_127, %dma_wait3A_128] : memref<1000000x32xf32, #tpu.memory_space<hbm>> -> memref<1000000x32xf32, #tpu.memory_space<hbm>>
      tpu.wait_indirect_dma semaphore(%arg9 : memref<!tpu.dma_semaphore, #tpu.memory_space<semaphore_mem>>) src(%dma_wait3A_129 : memref<1000000x32xf32, #tpu.memory_space<hbm>>) dst(%dma_wait3A_124 : memref<80x32xf32, #tpu.memory_space<vmem>>)
      %dma_wait3A_130 = arith.constant 400 : i32
      %dma_wait3A_131 = arith.constant 0 : i32
      %dma_wait3A_132 = tpu.memref_slice %arg7[%dma_wait3A_130, %dma_wait3A_131] : memref<800x32xf32, #tpu.memory_space<vmem>> -> memref<80x32xf32, #tpu.memory_space<vmem>>
      %dma_wait3A_133 = arith.constant 400 : i32
      %dma_wait3A_134 = tpu.memref_slice %arg6[%dma_wait3A_133] : memref<800xi32, #tpu.memory_space<vmem>> -> memref<80xi32, #tpu.memory_space<vmem>>
      %dma_wait3A_135 = arith.constant 0 : i32
      %dma_wait3A_136 = arith.constant 0 : i32
      %dma_wait3A_137 = tpu.memref_slice %arg3[%dma_wait3A_135, %dma_wait3A_136] : memref<1000000x32xf32, #tpu.memory_space<hbm>> -> memref<1000000x32xf32, #tpu.memory_space<hbm>>
      tpu.wait_indirect_dma semaphore(%arg9 : memref<!tpu.dma_semaphore, #tpu.memory_space<semaphore_mem>>) src(%dma_wait3A_137 : memref<1000000x32xf32, #tpu.memory_space<hbm>>) dst(%dma_wait3A_132 : memref<80x32xf32, #tpu.memory_space<vmem>>)
      %dma_wait3A_138 = arith.constant 480 : i32
      %dma_wait3A_139 = arith.constant 0 : i32
      %dma_wait3A_140 = tpu.memref_slice %arg7[%dma_wait3A_138, %dma_wait3A_139] : memref<800x32xf32, #tpu.memory_space<vmem>> -> memref<80x32xf32, #tpu.memory_space<vmem>>
      %dma_wait3A_141 = arith.constant 480 : i32
      %dma_wait3A_142 = tpu.memref_slice %arg6[%dma_wait3A_141] : memref<800xi32, #tpu.memory_space<vmem>> -> memref<80xi32, #tpu.memory_space<vmem>>
      %dma_wait3A_143 = arith.constant 0 : i32
      %dma_wait3A_144 = arith.constant 0 : i32
      %dma_wait3A_145 = tpu.memref_slice %arg3[%dma_wait3A_143, %dma_wait3A_144] : memref<1000000x32xf32, #tpu.memory_space<hbm>> -> memref<1000000x32xf32, #tpu.memory_space<hbm>>
      tpu.wait_indirect_dma semaphore(%arg9 : memref<!tpu.dma_semaphore, #tpu.memory_space<semaphore_mem>>) src(%dma_wait3A_145 : memref<1000000x32xf32, #tpu.memory_space<hbm>>) dst(%dma_wait3A_140 : memref<80x32xf32, #tpu.memory_space<vmem>>)
      %dma_wait3A_146 = arith.constant 560 : i32
      %dma_wait3A_147 = arith.constant 0 : i32
      %dma_wait3A_148 = tpu.memref_slice %arg7[%dma_wait3A_146, %dma_wait3A_147] : memref<800x32xf32, #tpu.memory_space<vmem>> -> memref<80x32xf32, #tpu.memory_space<vmem>>
      %dma_wait3A_149 = arith.constant 560 : i32
      %dma_wait3A_150 = tpu.memref_slice %arg6[%dma_wait3A_149] : memref<800xi32, #tpu.memory_space<vmem>> -> memref<80xi32, #tpu.memory_space<vmem>>
      %dma_wait3A_151 = arith.constant 0 : i32
      %dma_wait3A_152 = arith.constant 0 : i32
      %dma_wait3A_153 = tpu.memref_slice %arg3[%dma_wait3A_151, %dma_wait3A_152] : memref<1000000x32xf32, #tpu.memory_space<hbm>> -> memref<1000000x32xf32, #tpu.memory_space<hbm>>
      tpu.wait_indirect_dma semaphore(%arg9 : memref<!tpu.dma_semaphore, #tpu.memory_space<semaphore_mem>>) src(%dma_wait3A_153 : memref<1000000x32xf32, #tpu.memory_space<hbm>>) dst(%dma_wait3A_148 : memref<80x32xf32, #tpu.memory_space<vmem>>)
      %dma_wait3A_154 = arith.constant 640 : i32
      %dma_wait3A_155 = arith.constant 0 : i32
      %dma_wait3A_156 = tpu.memref_slice %arg7[%dma_wait3A_154, %dma_wait3A_155] : memref<800x32xf32, #tpu.memory_space<vmem>> -> memref<80x32xf32, #tpu.memory_space<vmem>>
      %dma_wait3A_157 = arith.constant 640 : i32
      %dma_wait3A_158 = tpu.memref_slice %arg6[%dma_wait3A_157] : memref<800xi32, #tpu.memory_space<vmem>> -> memref<80xi32, #tpu.memory_space<vmem>>
      %dma_wait3A_159 = arith.constant 0 : i32
      %dma_wait3A_160 = arith.constant 0 : i32
      %dma_wait3A_161 = tpu.memref_slice %arg3[%dma_wait3A_159, %dma_wait3A_160] : memref<1000000x32xf32, #tpu.memory_space<hbm>> -> memref<1000000x32xf32, #tpu.memory_space<hbm>>
      tpu.wait_indirect_dma semaphore(%arg9 : memref<!tpu.dma_semaphore, #tpu.memory_space<semaphore_mem>>) src(%dma_wait3A_161 : memref<1000000x32xf32, #tpu.memory_space<hbm>>) dst(%dma_wait3A_156 : memref<80x32xf32, #tpu.memory_space<vmem>>)
      %dma_wait3A_162 = arith.constant 720 : i32
      %dma_wait3A_163 = arith.constant 0 : i32
      %dma_wait3A_164 = tpu.memref_slice %arg7[%dma_wait3A_162, %dma_wait3A_163] : memref<800x32xf32, #tpu.memory_space<vmem>> -> memref<80x32xf32, #tpu.memory_space<vmem>>
      %dma_wait3A_165 = arith.constant 720 : i32
      %dma_wait3A_166 = tpu.memref_slice %arg6[%dma_wait3A_165] : memref<800xi32, #tpu.memory_space<vmem>> -> memref<80xi32, #tpu.memory_space<vmem>>
      %dma_wait3A_167 = arith.constant 0 : i32
      %dma_wait3A_168 = arith.constant 0 : i32
      %dma_wait3A_169 = tpu.memref_slice %arg3[%dma_wait3A_167, %dma_wait3A_168] : memref<1000000x32xf32, #tpu.memory_space<hbm>> -> memref<1000000x32xf32, #tpu.memory_space<hbm>>
      tpu.wait_indirect_dma semaphore(%arg9 : memref<!tpu.dma_semaphore, #tpu.memory_space<semaphore_mem>>) src(%dma_wait3A_169 : memref<1000000x32xf32, #tpu.memory_space<hbm>>) dst(%dma_wait3A_164 : memref<80x32xf32, #tpu.memory_space<vmem>>)
      %scan3A_170 = arith.constant 0 : i32
      %scan3A_171 = arith.constant 0 : i32
      %scan3A_172 = arith.constant 800 : i32
      %scan3A_173 = arith.addi %scan3A_171, %scan3A_172 : i32
      %scan3A_174 = arith.constant 1 : i32
      scf.for %scan3A_176 = %scan3A_171 to %scan3A_173 step %scan3A_174  : i32 {
        %get3A = arith.index_cast %scan3A_176 : i32 to index
        %get3A_177 = arith.constant 0 : index
        %get3A_178 = tpu.vector_load %arg7[%get3A, %get3A_177] {strides = array<i32>} : memref<800x32xf32, #tpu.memory_space<vmem>>, vector<1x16xf32>,
        %get3A_179 = vector.shape_cast %get3A_178 : vector<1x16xf32> to vector<16xf32>
        %get3A_180 = arith.index_cast %scan3A_176 : i32 to index
        %get3A_181 = arith.constant 0 : index
        %get3A_182 = tpu.vector_load %arg8[%get3A_180, %get3A_181] {strides = array<i32>} : memref<800x32xf32, #tpu.memory_space<vmem>>, vector<1x16xf32>,
        %get3A_183 = vector.shape_cast %get3A_182 : vector<1x16xf32> to vector<16xf32>
        %add3A_184 = arith.addf %get3A_179, %get3A_183 : vector<16xf32>
        %swap3A = arith.index_cast %scan3A_176 : i32 to index
        %swap3A_185 = arith.constant 0 : index
        %swap3A_186 = tpu.vector_load %arg7[%swap3A, %swap3A_185] {strides = array<i32>} : memref<800x32xf32, #tpu.memory_space<vmem>>, vector<1x16xf32>,
        %swap3A_187 = vector.shape_cast %swap3A_186 : vector<1x16xf32> to vector<16xf32>
        %swap3A_188 = vector.shape_cast %add3A_184 : vector<16xf32> to vector<1x16xf32>
        tpu.vector_store %arg7[%swap3A, %swap3A_185], %swap3A_188 {strides = array<i32>} : memref<800x32xf32, #tpu.memory_space<vmem>>, vector<1x16xf32>,
        %get3A_189 = arith.index_cast %scan3A_176 : i32 to index
        %get3A_190 = arith.constant 16 : index
        %get3A_191 = tpu.vector_load %arg7[%get3A_189, %get3A_190] {strides = array<i32>} : memref<800x32xf32, #tpu.memory_space<vmem>>, vector<1x16xf32>,
        %get3A_192 = vector.shape_cast %get3A_191 : vector<1x16xf32> to vector<16xf32>
        %get3A_193 = arith.index_cast %scan3A_176 : i32 to index
        %get3A_194 = arith.constant 16 : index
        %get3A_195 = tpu.vector_load %arg8[%get3A_193, %get3A_194] {strides = array<i32>} : memref<800x32xf32, #tpu.memory_space<vmem>>, vector<1x16xf32>,
        %get3A_196 = vector.shape_cast %get3A_195 : vector<1x16xf32> to vector<16xf32>
        %add3A_197 = arith.addf %get3A_192, %get3A_196 : vector<16xf32>
        %swap3A_198 = arith.index_cast %scan3A_176 : i32 to index
        %swap3A_199 = arith.constant 16 : index
        %swap3A_200 = tpu.vector_load %arg7[%swap3A_198, %swap3A_199] {strides = array<i32>} : memref<800x32xf32, #tpu.memory_space<vmem>>, vector<1x16xf32>,
        %swap3A_201 = vector.shape_cast %swap3A_200 : vector<1x16xf32> to vector<16xf32>
        %swap3A_202 = vector.shape_cast %add3A_197 : vector<16xf32> to vector<1x16xf32>
        tpu.vector_store %arg7[%swap3A_198, %swap3A_199], %swap3A_202 {strides = array<i32>} : memref<800x32xf32, #tpu.memory_space<vmem>>, vector<1x16xf32>,
      }
      %scan3A_175 = arith.constant 800 : i32
      "tpu.region"() ({
        %run_scoped3A = tpu.sem_alloc : memref<!tpu.dma_semaphore, #tpu.memory_space<semaphore_mem>>
        %dma_start3A_176 = arith.constant 0 : i32
        %dma_start3A_177 = tpu.memref_slice %arg5[%mul3A_11, %dma_start3A_176] : memref<819200x32xf32, #tpu.memory_space<hbm>> -> memref<800x32xf32, #tpu.memory_space<hbm>>
        %dma_start3A_178 = arith.constant 0 : i32
        %dma_start3A_179 = tpu.memref_slice %arg5[%mul3A_11, %dma_start3A_178] : memref<819200x32xf32, #tpu.memory_space<hbm>> -> memref<800x32xf32, #tpu.memory_space<hbm>>
        tpu.enqueue_dma source(%arg7 : memref<800x32xf32, #tpu.memory_space<vmem>>) target(%dma_start3A_179 : memref<800x32xf32, #tpu.memory_space<hbm>>) target_semaphore(%run_scoped3A : memref<!tpu.dma_semaphore, #tpu.memory_space<semaphore_mem>>)
        %dma_wait3A_180 = arith.constant 0 : i32
        %dma_wait3A_181 = tpu.memref_slice %arg5[%mul3A_11, %dma_wait3A_180] : memref<819200x32xf32, #tpu.memory_space<hbm>> -> memref<800x32xf32, #tpu.memory_space<hbm>>
        %dma_wait3A_182 = arith.constant 0 : i32
        %dma_wait3A_183 = tpu.memref_slice %arg5[%mul3A_11, %dma_wait3A_182] : memref<819200x32xf32, #tpu.memory_space<hbm>> -> memref<800x32xf32, #tpu.memory_space<hbm>>
        tpu.wait_dma2 semaphore(%run_scoped3A : memref<!tpu.dma_semaphore, #tpu.memory_space<semaphore_mem>>) src(%arg7 : memref<800x32xf32, #tpu.memory_space<vmem>>) dst(%dma_wait3A_183 : memref<800x32xf32, #tpu.memory_space<hbm>>)
        tpu.yield
      }) : () -> ()
    }
    %scan3A_5 = arith.constant 32 : i32
    return
  }
}

</mosaic_0001>

<sc_bundles>
// kernel: _embed.3.cloned.1.call-start
scs
__scs_entry_jumppad:
0x0: {  	(pc) =	sbr.rel $0x88, $3  }
0x1: {  	(tag) =	ssettag $0x0;
	lr =	simm.s32 $0x1  }
0x2: {  	[smem:$0x3F9E] =	sst lr;
	_ =	strace $0xD0000000  }
0x3: {  	_ = 	snop  }
0x4: {  	_ = 	snop  }
0x5: {  	_ = 	snop  }
0x6: {  	_ = 	snop  }
0x7: {  	_ = 	snop  }
__scs_overlays_trampoline_lowered:
0x8: {  	[smem:$0x3FAD] =	sst s0  }
0x9: {  	[smem:$0x3FAE] =	sst s1  }
0xa: {  	[smem:$0x3FAF] =	sst s2  }
0xb: {  	[smem:$0x3FB0] =	sst s3  }
0xc: {  	[smem:$0x3FB1] =	sst s4  }
0xd: {  	[smem:$0x3FB2] =	sst s5  }
0xe: {  	[smem:$0x3FB3] =	sst s6  }
0xf: {  	[smem:$0x3FB4] =	sst s7  }
0x10: {  	[smem:$0x3FB5] =	sst s8  }
0x11: {  	[smem:$0x3FB6] =	sst s9;
	s0 =	simm.s32 @!p0 $0x0  }
0x12: {  	s1 =	sld [smem:$0x3F9C];
	s0 =	simm.s32 @p0 $0x1  }
0x13: {  	[smem:$0x3FB7] =	sst s0;
	s0 =	simm.s32 @!p1 $0x0  }
0x14: {  	s2 =	sld [smem:$0x3F9B];
	s0 =	simm.s32 @p1 $0x1  }
0x15: {  	[smem:$0x3FB8] =	sst s0;
	s0 =	simm.s32 @!p2 $0x0  }
0x16: {  	s3 =	sld [smem:$0x3FDB];
	s0 =	simm.s32 @p2 $0x1  }
0x17: {  	s4 =	simm.s32 $0x1BF5;
	[smem:$0x3FBA] =	sst s0  }
0x18: {  	s0 =	sld [smem:$0x3F9D];
	_ =	swait.ge [sflag:s4], $0x0  }
0x19: {  	s7 =	sld [smem:$0x3F9E]  }
0x1a: {  	s8 =	sadd.s32 $0xFFFFE003, lr  }
0x1b: {  	s9 =	sadd.s32 $0xFFFFFEF7, lr;
	s5 =	simm.s32 $0xFFFFFFFF;
	p2 =	slt.u32 s8, $0xFFFFF086  }
0x1c: {  	p1 =	slt.u32 s9, $0xF7A;
	s5 =	simm.s32 @!p2 $0x0  }
0x1d: {  	s5 =	simm.s32 @p1 $0x1;
	p0 =	seq.s32 s7, s2  }
0x1e: {  	s7 =	smul.u32 @!p0 $0xF7A, s2;
	p2 =	seq.s32 @!p0 s5, $0x0  }
0x1f: {  	s9 =	smul.u32 $0xF7A, s1;
	s8 =	simm.s32 @!p0 $0x1BF5;
	p2 =	por !p2, p0  }
0x20: {  	[sflag:s8] =	ssyncset.s32 @!p0 $0xFFFFF086;
	s6 =	sadd.s32 @!p0 s3, s7;
	s7 =	simm.s32 @!p0 $0x108  }
0x21: {  	s3 =	sadd.s32 s3, s9;
	s6 =	sadd.s32 @!p0 $0x88, s6;
	s7 =	simm.s32 @p2 $0x1082  }
0x22: {  	[simem:s7], [sflag:s8] =	dma.local @!p0 [hbm:s6], $0xF7A  }
0x23: {  	s9 =	sor.u32 $0xD0000000, s2;
	s6 =	simm.s32 $0x108;
	_ =	swait.ge @!p0 [sflag:s8], $0x0  }
0x24: {  	s3 =	sadd.s32 $0x88, s3;
	s6 =	simm.s32 @!p1 $0x1082;
	[sflag:s4] =	ssyncset.s32 $0xFFFFF086  }
0x25: {  	[simem:s6], [sflag:s4] =	dma.local [hbm:s3], $0xF7A  }
0x26: {  	[smem:$0x3F9E] =	sst s1;
	(tag) =	ssettag s2;
	_ =	strace s9  }
0x27: {  	s1 =	sld [smem:$0x3FAE]  }
0x28: {  	s2 =	sld [smem:$0x3FAF]  }
0x29: {  	s4 =	sld [smem:$0x3FB1]  }
0x2a: {  	p0 =	seq.s32 s5, $0x0;
	s5 =	sld [smem:$0x3FB2]  }
0x2b: {  	s6 =	sld [smem:$0x3FB3]  }
0x2c: {  	s7 =	sld [smem:$0x3FB4]  }
0x2d: {  	s3 =	simm.s32 $0x108;
	s8 =	sld [smem:$0x3FB5]  }
0x2e: {  	s3 =	simm.s32 @!p0 $0x1082;
	s9 =	sld [smem:$0x3FB6]  }
0x2f: {  	lr =	sadd.s32 s0, s3;
	s0 =	sld [smem:$0x3FAD]  }
0x30: {  	s3 =	sld [smem:$0x3FB0]  }
0x31: {  	[smem:$0x3FB9] =	sst s10  }
0x32: {  	s10 =	sld [smem:$0x3FB7];
	_ =	sdelay $0x3  }
0x33: {  	p0 =	seq.s32 s10, $0x1;
	s10 =	sld [smem:$0x3FB9];
	_ =	sdelay $0x3  }
0x34: {  	[smem:$0x3FB9] =	sst s10  }
0x35: {  	s10 =	sld [smem:$0x3FB8];
	_ =	sdelay $0x3  }
0x36: {  	p1 =	seq.s32 s10, $0x1;
	s10 =	sld [smem:$0x3FB9];
	_ =	sdelay $0x3  }
0x37: {  	[smem:$0x3FB9] =	sst s10  }
0x38: {  	s10 =	sld [smem:$0x3FBA]  }
0x39: {  	_ = 	snop;
	(pc) =	sbr.ind lr, $3  }
0x3a: {  	_ = 	snop  }
0x3b: {  	_ = 	snop  }
0x3c: {  	p2 =	seq.s32 s10, $0x1;
	s10 =	sld [smem:$0x3FB9]  }
0x3d: {  	_ =	shalt  }
0x3e: {  	_ =	shalt  }
0x3f: {  	_ =	shalt  }
0x40: {  	_ =	shalt  }
0x41: {  	_ =	shalt  }
0x42: {  	_ =	shalt  }
0x43: {  	_ =	shalt  }
0x44: {  	_ =	shalt  }
0x45: {  	_ =	shalt  }
0x46: {  	_ =	shalt  }
0x47: {  	_ =	shalt  }
0x48: {  	_ =	shalt  }
0x49: {  	_ =	shalt  }
0x4a: {  	_ =	shalt  }
0x4b: {  	_ =	shalt  }
0x4c: {  	_ =	shalt  }
0x4d: {  	_ =	shalt  }
0x4e: {  	_ =	shalt  }
0x4f: {  	_ =	shalt  }
0x50: {  	_ =	shalt  }
0x51: {  	_ =	shalt  }
0x52: {  	_ =	shalt  }
0x53: {  	_ =	shalt  }
0x54: {  	_ =	shalt  }
0x55: {  	_ =	shalt  }
0x56: {  	_ =	shalt  }
0x57: {  	_ =	shalt  }
0x58: {  	_ =	shalt  }
0x59: {  	_ =	shalt  }
0x5a: {  	_ =	shalt  }
0x5b: {  	_ =	shalt  }
0x5c: {  	_ =	shalt  }
0x5d: {  	_ =	shalt  }
0x5e: {  	_ =	shalt  }
0x5f: {  	_ =	shalt  }
0x60: {  	_ =	shalt  }
0x61: {  	_ =	shalt  }
0x62: {  	_ =	shalt  }
0x63: {  	_ =	shalt  }
0x64: {  	_ =	shalt  }
0x65: {  	_ =	shalt  }
0x66: {  	_ =	shalt  }
0x67: {  	_ =	shalt  }
0x68: {  	_ =	shalt  }
0x69: {  	_ =	shalt  }
0x6a: {  	_ =	shalt  }
0x6b: {  	_ =	shalt  }
0x6c: {  	_ =	shalt  }
0x6d: {  	_ =	shalt  }
0x6e: {  	_ =	shalt  }
0x6f: {  	_ =	shalt  }
0x70: {  	_ =	shalt  }
0x71: {  	_ =	shalt  }
0x72: {  	_ =	shalt  }
0x73: {  	_ =	shalt  }
0x74: {  	_ =	shalt  }
0x75: {  	_ =	shalt  }
0x76: {  	_ =	shalt  }
0x77: {  	_ =	shalt  }
0x78: {  	_ =	shalt  }
0x79: {  	_ =	shalt  }
0x7a: {  	_ =	shalt  }
0x7b: {  	_ =	shalt  }
0x7c: {  	_ =	shalt  }
0x7d: {  	_ =	shalt  }
0x7e: {  	_ =	shalt  }
0x7f: {  	_ =	shalt  }
0x80: {  	_ =	shalt  }
0x81: {  	_ =	shalt  }
0x82: {  	_ =	shalt  }
0x83: {  	_ =	shalt  }
0x84: {  	_ =	shalt  }
0x85: {  	_ =	shalt  }
0x86: {  	_ =	shalt  }
0x87: {  	_ =	shalt  }
.Lfunc_end0:
.L_simem_size_0:
called_computation.1_lowered:
.L_overlay_start_0:
0x88: {  	s2 =	sld [smem:$0x3FD9]  }
0x89: {  	s3 =	sld [smem:$0x3FFE];
	_ =	sdelay $0x1  }
0x8a: {  	s1 =	srdreg.scid  }
0x8b: {  	s0 =	sand.u32 $0x1, s1  }
0x8c: {  	s17 =	sshll.u32 s0, $0xA;
	s2 =	sadd.s32 s3, s2  }
0x8d: {  	s2 =	sadd.s32 s2, s17  }
0x8e: {  	[smem:$0x3FC5] =	sst s2  }
0x8f: {  	_ = 	snop  }
0x90: {  	s2 =	sld [smem:$0x3FC9]  }
0x91: {  	s18 =	sld [smem:$0x3FD0];
	(tm) =	ssettm $0x1  }
0x92: {  	s4 =	sld [smem:$0x3FFB];
	_ =	sdelay $0x3  }
0x93: {  	_ =	strace s4  }
0x94: {  	s4 =	sld [smem:$0x3FFC];
	_ =	sdelay $0x3  }
0x95: {  	_ =	strace s4  }
0x96: {  	s4 =	sld [smem:$0x3FFD];
	_ =	sdelay $0x3  }
0x97: {  	_ =	strace s4  }
0x98: {  	_ =	strace $0x8FFFFFFF  }
0x99: {  	s19 =	sld [smem:$0x3FDB];
	_ =	sdelay $0x1  }
0x9a: {  	s5 =	simm.s32 $_scs_section_size  }
0x9b: {  	s6 =	simm.s32 $_size__tile_overlayer_lowered;
	s7 =	simm.s32 $_tile_overlayer_lowered  }
0x9c: {  	s22 =	simm.s32 $0x1BFF;
	s21 =	sshll.u32 s7, $0x1;
	s4 =	sadd.s32 s5, s19  }
0x9d: {  	s8 =	simm.s32 $0x0;
	s20 =	sshll.u32 s6, $0x1;
	s6 =	sadd.s32 s21, s4  }
0x9e: {  	[timem:s8], [sflag:s22] =	dma.local [hbm:s6], s20  }
0x9f: {  	_ =	swait.ge [sflag:s22], s20  }
0xa0: {  	s5 =	ssub.s32 $0x0, s20;
	[sflag:s22] =	ssyncset.done $0x0  }
0xa1: {  	[sflag:s22] =	ssyncadd.s32 s5;
	_ =	sdelay $0x1  }
0xa2: {  	s23 =	simm.s32 $0x1B8B  }
0xa3: {  	_ =	swait.ge [sflag:s23], $0x1  }
0xa4: {  	[sflag:s23] =	ssyncset.done $0x0  }
0xa5: {  	s25 =	simm.s32 $0x1B8E;
	s24 =	sld [smem:$0x3FFE];
	[sflag:s23] =	ssyncadd.s32 $0xFFFFFFFF  }
0xa6: {  	s26 =	simm.s32 $execute0_lowered;
	[smem:$0x3FD2] =	sst s25  }
0xa7: {  	s6 =	sshll.u32 s26, $0x1;
	_ =	strace $0x80000046;
	[dreg:$0x1] =	wrdreg $0xFFFFFFFF  }
0xa8: {  	s28 =	simm.s32 $_size_execute0_lowered;
	s4 =	sadd.s32 s4, s6;
	[dreg:$0x0] =	wrdreg $0x0  }
0xa9: {  	s6 =	sshll.u32 s28, $0x1;
	[dreg:$0x2] =	wrdreg s4  }
0xaa: {  	[dreg:$0x3] =	wrdreg s6  }
0xab: {  	[dreg:$0x4] =	wrdreg $0xC0  }
0xac: {  	_ =	task [dreg:s8], $0x5FFFF  }
0xad: {  	[dreg:$0x1] =	wrdreg $0xFFFFFFFF  }
0xae: {  	[dreg:$0x0] =	wrdreg $0x60  }
0xaf: {  	[dreg:$0x2] =	wrdreg s2  }
0xb0: {  	[dreg:$0x3] =	wrdreg s24  }
0xb1: {  	[dreg:$0x4] =	wrdreg s18  }
0xb2: {  	[dreg:$0x5] =	wrdreg $0x9  }
0xb3: {  	_ =	task.clear_ibuf [dreg:s8], $0x6FFFF;
	_ =	strace $0x90000046  }
0xb4: {  	s29 =	simm.s32 $0x9;
	_ =	strace $0x80000048  }
0xb5: {  	_ =	swait.ge [sflag:s29], $0x1  }
0xb6: {  	[sflag:s29] =	ssyncadd.s32 $0xFFFFFFFF  }
0xb7: {  	_ =	strace $0x90000048  }
0xb8: {  	_ =	sfence  }
0xb9: {  	s30 =	sld [smem:$0x0];
	_ =	sdelay $0x2  }
0xba: {  	s31 =	sshll.u32 s1, $0xD;
	s1 =	sshrl.u32 s1, $0x2  }
0xbb: {  	s3 =	sand.u32 $0x4000, s31;
	s1 =	sadd.s32 s1, s30  }
0xbc: {  	s0 =	sor.u32 s3, s0;
	s1 =	sshll.u32 s1, $0x11  }
0xbd: {  	s0 =	sor.u32 s1, s0  }
0xbe: {  	s0 =	sadd.s32 $0x8F2B, s0  }
0xbf: {  	[sflag:s0] =	ssyncadd.remote.s32 $0x1  }
0xc0: {  	_ =	sfence.sel $0xFFFF  }
0xc1: {  	[dreg:$0x0] =	wrdreg $0xFFFFFFFF;
	(pc) =	sbr.abs _section_cstart, $3  }
0xc2: {  	[dreg:$0x1] =	wrdreg $0xFFFFFFFF  }
0xc3: {  	_ =	task.clear_ibuf [dreg:s8], $0x2FFFF;
	_ =	strace $0x9FFFFFFF  }
0xc4: {  	(tm) =	ssettm $0x7FFFFFFF  }
0xc5: {  	_ =	shalt  }
tec
execute0_lowered:
.L_overlay_start_1:
0x0: {  	(tag) =	ssettag $0x1  }
0x1: {  	s1 =	rddreg [dreg:$0x0]  }
0x2: {  	s0 =	rddreg [dreg:$0x1]  }
0x3: {  	s2 =	rddreg [dreg:$0x2]  }
0x4: {  	s3 =	simm.s32 $0x0;
	s4 =	srdreg.scid;
	s8 =	stileid.u32  }
0x5: {  	s10 =	simm.s32 $0x2;
	s14 =	simm.s32 $0x50;
	s15 =	simm.s32 $0x320  }
0x6: {  	s16 =	simm.s32 $0xD20;
	s17 =	simm.s32 $0xA0;
	s18 =	simm.s32 $0x1720  }
0x7: {  	s19 =	simm.s32 $0xF0;
	s20 =	simm.s32 $0x2120;
	s21 =	simm.s32 $0x140  }
0x8: {  	s22 =	simm.s32 $0x2B20;
	s23 =	simm.s32 $0x190;
	s24 =	simm.s32 $0x3520  }
0x9: {  	s25 =	simm.s32 $0x1E0;
	s28 =	simm.s32 $0x230;
	s29 =	simm.s32 $0x4920  }
0xa: {  	s30 =	simm.s32 $0x280;
	s31 =	simm.s32 $0x5320;
	s9 =	simm.s32 $0x1  }
0xb: {  	[smem:$0x7FF] =	sst s3;
	s4 =	sand.u32 $0x1, s4;
	s5 =	sadd.s32 $0xF42E00, s0  }
0xc: {  	s8 =	sshll.u32 s8, $0x6;
	s0 =	sadd.s32 $0xA00, s0;
	s6 =	ssub.s32 $0x2, s4  }
0xd: {  	_ =	strace $0x80000047;
	s4 =	sshll.u32 s4, $0x5;
	s7 =	sshrl.u32 s6, $0x1  }
0xe: {  	[dreg:$0x4] =	wrdreg s0;
	s26 =	ssub.s32 s6, s7;
	s7 =	sor.u32 s4, s8  }
0xf: {  	s4 =	simm.s32 $0x5D20;
	s8 =	simm.s32 $0x0;
	s0 =	smax.u32 s26, $0x1  }
0x10: {  	s26 =	simm.s32 $0x3F20;
	[dreg:$0x5] =	wrdreg s0;
	s0 =	simm.s32 $0x2D0  }
.LBB2_1:
0x11: {  	[dreg:$0x6] =	wrdreg s8  }
0x12: {  	s6 =	rddreg [dreg:$0x4];
	s13 =	simm.s32 $0x6720  }
0x13: {  	[tilespmem:s13], [sflag:$0x2] =	stream.linear.gather [hbm4b:s6+s3], $0x1900, $0x38;
	[tilespmem:$0xCB20] =	vst v63  }
0x14: {  	_ =	swait.ge [sflag:s10], $0x1900  }
0x15: {  	[sflag:s10] =	ssyncset.done $0x0  }
0x16: {  	s11 =	simm.s32 $0x8020;
	[sflag:s10] =	ssyncadd.s32 $0xFFFFE700  }
0x17: {  	[tilespmem:s11], [sflag:$0x2] =	stream.linear.gather [hbm4b:s6+s3], $0x1900, $0x38;
	[tilespmem:$0xCB20] =	vst v63  }
0x18: {  	_ =	swait.ge [sflag:s10], $0x1900  }
0x19: {  	[sflag:s10] =	ssyncset.done $0x0  }
0x1a: {  	s12 =	simm.s32 $0x9920;
	[sflag:s10] =	ssyncadd.s32 $0xFFFFE700  }
0x1b: {  	[tilespmem:s12], [sflag:$0x2] =	stream.linear.gather [hbm4b:s6+s3], $0x1900, $0x38;
	[tilespmem:$0xCB20] =	vst v63  }
0x1c: {  	_ =	swait.ge [sflag:s10], $0x1900  }
0x1d: {  	[sflag:s10] =	ssyncset.done $0x0  }
0x1e: {  	s13 =	simm.s32 $0xB220;
	[sflag:s10] =	ssyncadd.s32 $0xFFFFE700  }
0x1f: {  	[tilespmem:s13], [sflag:$0x2] =	stream.linear.gather [hbm4b:s6+s3], $0x1900, $0x38;
	[tilespmem:$0xCB20] =	vst v63  }
0x20: {  	_ =	swait.ge [sflag:s10], $0x1900  }
0x21: {  	[sflag:s10] =	ssyncset.done $0x0  }
0x22: {  	s12 =	simm.s32 $0x0;
	[sflag:s10] =	ssyncadd.s32 $0xFFFFE700  }
.LBB2_2:
0x23: {  	s13 =	sadd.s32 s7, s12  }
0x24: {  	s6 =	smul.u32 $0x64, s13;
	_ =	sdelay $0x1  }
0x25: {  	s8 =	simm.s32 $0x0;
	s6 =	sadd.s32 s1, s6  }
0x26: {  	[tilespmem:s8], [sflag:$0x2] =	stream.linear.gather [hbm4b:s6+s8], $0x320, $0x38;
	[tilespmem:$0xCB20] =	vst v63  }
0x27: {  	_ =	swait.ge [sflag:s10], $0x320  }
0x28: {  	[sflag:s10] =	ssyncset.done $0x0  }
0x29: {  	[sflag:s10] =	ssyncadd.s32 $0xFFFFFCE0  }
0x2a: {  	[tilespmem:s15], [sflag:$0x1] =	stream.indirect.gather [hbm4b:s5+s14], $0x20, s8, s14, $0xb8;
	[tilespmem:$0xCB20] =	vst v63  }
0x2b: {  	_ = 	snop  }
0x2c: {  	[tilespmem:s16], [sflag:$0x1] =	stream.indirect.gather [hbm4b:s5+s14], $0x20, s14, s14, $0xb8;
	[tilespmem:$0xCB20] =	vst v63  }
0x2d: {  	_ = 	snop  }
0x2e: {  	[tilespmem:s18], [sflag:$0x1] =	stream.indirect.gather [hbm4b:s5+s14], $0x20, s17, s14, $0xb8;
	[tilespmem:$0xCB20] =	vst v63  }
0x2f: {  	_ = 	snop  }
0x30: {  	[tilespmem:s20], [sflag:$0x1] =	stream.indirect.gather [hbm4b:s5+s14], $0x20, s19, s14, $0xb8;
	[tilespmem:$0xCB20] =	vst v63  }
0x31: {  	_ = 	snop  }
0x32: {  	[tilespmem:s22], [sflag:$0x1] =	stream.indirect.gather [hbm4b:s5+s14], $0x20, s21, s14, $0xb8;
	[tilespmem:$0xCB20] =	vst v63  }
0x33: {  	_ = 	snop  }
0x34: {  	[tilespmem:s24], [sflag:$0x1] =	stream.indirect.gather [hbm4b:s5+s14], $0x20, s23, s14, $0xb8;
	[tilespmem:$0xCB20] =	vst v63  }
0x35: {  	_ = 	snop  }
0x36: {  	[tilespmem:s26], [sflag:$0x1] =	stream.indirect.gather [hbm4b:s5+s14], $0x20, s25, s14, $0xb8;
	[tilespmem:$0xCB20] =	vst v63  }
0x37: {  	_ = 	snop  }
0x38: {  	[tilespmem:s29], [sflag:$0x1] =	stream.indirect.gather [hbm4b:s5+s14], $0x20, s28, s14, $0xb8;
	[tilespmem:$0xCB20] =	vst v63  }
0x39: {  	_ = 	snop  }
0x3a: {  	[tilespmem:s31], [sflag:$0x1] =	stream.indirect.gather [hbm4b:s5+s14], $0x20, s30, s14, $0xb8;
	[tilespmem:$0xCB20] =	vst v63  }
0x3b: {  	_ = 	snop  }
0x3c: {  	[tilespmem:s4], [sflag:$0x1] =	stream.indirect.gather [hbm4b:s5+s14], $0x20, s0, s14, $0xb8;
	[tilespmem:$0xCB20] =	vst v63  }
0x3d: {  	_ =	swait.ge [sflag:s9], $0xA00  }
0x3e: {  	[sflag:s9] =	ssyncset.done $0x0  }
0x3f: {  	[sflag:s9] =	ssyncadd.s32 $0xFFFFF600  }
0x40: {  	_ =	swait.ge [sflag:s9], $0xA00  }
0x41: {  	[sflag:s9] =	ssyncset.done $0x0  }
0x42: {  	[sflag:s9] =	ssyncadd.s32 $0xFFFFF600  }
0x43: {  	_ =	swait.ge [sflag:s9], $0xA00  }
0x44: {  	[sflag:s9] =	ssyncset.done $0x0  }
0x45: {  	[sflag:s9] =	ssyncadd.s32 $0xFFFFF600  }
0x46: {  	_ =	swait.ge [sflag:s9], $0xA00  }
0x47: {  	[sflag:s9] =	ssyncset.done $0x0  }
0x48: {  	[sflag:s9] =	ssyncadd.s32 $0xFFFFF600  }
0x49: {  	_ =	swait.ge [sflag:s9], $0xA00  }
0x4a: {  	[sflag:s9] =	ssyncset.done $0x0  }
0x4b: {  	[sflag:s9] =	ssyncadd.s32 $0xFFFFF600  }
0x4c: {  	_ =	swait.ge [sflag:s9], $0xA00  }
0x4d: {  	[sflag:s9] =	ssyncset.done $0x0  }
0x4e: {  	[sflag:s9] =	ssyncadd.s32 $0xFFFFF600  }
0x4f: {  	_ =	swait.ge [sflag:s9], $0xA00  }
0x50: {  	[sflag:s9] =	ssyncset.done $0x0  }
0x51: {  	[sflag:s9] =	ssyncadd.s32 $0xFFFFF600  }
0x52: {  	_ =	swait.ge [sflag:s9], $0xA00  }
0x53: {  	[sflag:s9] =	ssyncset.done $0x0  }
0x54: {  	[sflag:s9] =	ssyncadd.s32 $0xFFFFF600  }
0x55: {  	_ =	swait.ge [sflag:s9], $0xA00  }
0x56: {  	[sflag:s9] =	ssyncset.done $0x0  }
0x57: {  	[sflag:s9] =	ssyncadd.s32 $0xFFFFF600  }
0x58: {  	_ =	swait.ge [sflag:s9], $0xA00  }
0x59: {  	[sflag:s9] =	ssyncset.done $0x0  }
0x5a: {  	s8 =	simm.s32 $0x0;
	[sflag:s9] =	ssyncadd.s32 $0xFFFFF600  }
0x5b: {  	v0 =	vld [tilespmem:s8+$0x6720]  }
0x5c: {  	v1 =	vld [tilespmem:s8+$0x6730]  }
0x5d: {  	s6 =	simm.s32 $0x80;
	v2 =	vld [tilespmem:s8+$0x320]  }
.LBB2_3:
0x5e: {  	p0 =	sne.s32 s6, $0x18F80;
	v3 =	vld [tilespmem:s8+$0x330];
	_ =	sdelay $0x2  }
.Ltmp0:
0x5f: {  	(pc) =	sbr.rel @p0 .LBB2_3-.Ltmp0, $4  }
0x60: {  	s11 =	sshra.s32 s6, $0x2;
	v2 =	vadd.f32 v0, v2  }
0x61: {  	v0 =	vld [tilespmem:s11+$0x6720];
	v3 =	vadd.f32 v1, v3  }
0x62: {  	v1 =	vld [tilespmem:s11+$0x6730];
	[tilespmem:s8+$0x320] =	vst v2  }
0x63: {  	s6 =	sadd.s32 $0x80, s6;
	v2 =	vld [tilespmem:s11+$0x320];
	[tilespmem:s8+$0x330] =	vst v3;
	s8 =	smov.u32 s11  }
0x64: {  	v3 =	vld [tilespmem:s8+$0x330];
	_ =	sdelay $0x3  }
0x65: {  	v0 =	vadd.f32 v0, v2  }
0x66: {  	s6 =	smul.u32 $0xC80, s13;
	s12 =	sadd.s32 $0x1, s12;
	v1 =	vadd.f32 v1, v3  }
0x67: {  	p0 =	sne.s32 s12, $0x20;
	[tilespmem:s8+$0x320] =	vst v0  }
.Ltmp1:
0x68: {  	s6 =	sadd.s32 s2, s6;
	[tilespmem:s8+$0x330] =	vst v1;
	(pc) =	sbr.rel @p0 .LBB2_2-.Ltmp1, $4  }
0x69: {  	[hbm4b:s6+s3] =	stream.linear.scatter [tilespmem:s15], [sflag:$0x2], $0x6400, $0x38;
	[tilespmem:$0xCB20] =	vst v63  }
0x6a: {  	_ =	swait.ge [sflag:s10], $0x6400  }
0x6b: {  	[sflag:s10] =	ssyncset.done $0x0  }
0x6c: {  	[sflag:s10] =	ssyncadd.s32 $0xFFFF9C00  }
0x6d: {  	s8 =	rddreg [dreg:$0x6]  }
0x6e: {  	s6 =	rddreg [dreg:$0x5];
	s8 =	sadd.s32 $0x1, s8  }
0x6f: {  	p0 =	sne.s32 s8, s6  }
.Ltmp2:
0x70: {  	_ = 	snop;
	(pc) =	sbr.rel @p0 .LBB2_1-.Ltmp2, $1  }
0x71: {  	_ =	sdelay $0x3  }
0x72: {  	_ =	sfence.sel $0x180000  }
0x73: {  	[bflag:$0x0] =	sbarrier.arrive $0xFFFF  }
0x74: {  	_ =	strace $0x90000047  }
0x75: {  	s0 =	stileid.u32;
	[bflag:$0x2] =	sbarrier.arrive $0xFFFF  }
0x76: {  	p0 =	sne.s32 s0, $0x0;
	s0 =	rddreg [dreg:$0x3]  }
0x77: {  	s0 =	sadd.s32 @!p0 $0x100000, s0  }
0x78: {  	[sflag:s0] =	ssyncadd.tile.s32 @!p0 $0x1;
	_ =	shalt  }
.Lfunc_end2:
_tile_overlayer_lowered:
.L_overlay_start_2:
0x79: {  	(tag) =	ssettag $0x2  }
0x7a: {  	s0 =	rddreg [dreg:$0x0];
	s2 =	stileid.u32  }
0x7b: {  	s1 =	rddreg [dreg:$0x1];
	p0 =	sne.s32 s2, $0x0  }
0x7c: {  	s3 =	rddreg [dreg:$0x2];
	[bflag:$0x3] =	sbarrier.arrive $0xFFFF;
	s2 =	simm.s32 @!p0 $0x1C02  }
0x7d: {  	[timem:s3], [sflag:s2] =	dma.local @!p0 [hbm:s0], s1  }
0x7e: {  	s0 =	simm.s32 @!p0 $0x2  }
0x7f: {  	_ =	swait.ge @!p0 [sflag:s0], s1  }
0x80: {  	s1 =	ssub.s32 @!p0 $0x0, s1;
	[sflag:s0] =	ssyncset.done @!p0 $0x0  }
0x81: {  	[sflag:s0] =	ssyncadd.s32 @!p0 s1  }
0x82: {  	[bflag:$0x3] =	sbarrier.arrive $0xFFFF  }
0x83: {  	_ =	shalt  }

// kernel: sparse-core-data-format-call.cloned.1.call-start
scs
called_computation_lowered:
.L_overlay_start_0:
0x0: {  	s2 =	sld [smem:$0x3FD9]  }
0x1: {  	s3 =	sld [smem:$0x3FFE];
	_ =	sdelay $0x1  }
0x2: {  	s1 =	srdreg.scid  }
0x3: {  	s0 =	sand.u32 $0x1, s1  }
0x4: {  	s18 =	sshll.u32 s0, $0xA;
	s2 =	sadd.s32 s3, s2  }
0x5: {  	s2 =	sadd.s32 s2, s18  }
0x6: {  	[smem:$0x3FC5] =	sst s2  }
0x7: {  	_ = 	snop  }
0x8: {  	s2 =	sld [smem:$0x3FD0];
	(tm) =	ssettm $0x1  }
0x9: {  	s19 =	sld [smem:$0x3FFB];
	_ =	sdelay $0x3  }
0xa: {  	_ =	strace s19  }
0xb: {  	s3 =	sld [smem:$0x3FFC];
	_ =	sdelay $0x3  }
0xc: {  	_ =	strace s3  }
0xd: {  	s3 =	sld [smem:$0x3FFD];
	_ =	sdelay $0x3  }
0xe: {  	_ =	strace s3  }
0xf: {  	_ =	strace $0x8FFFFFFF  }
0x10: {  	s20 =	sld [smem:$0x3FDB];
	_ =	sdelay $0x1  }
0x11: {  	s4 =	simm.s32 $_scs_section_size  }
0x12: {  	s5 =	simm.s32 $_size__tile_overlayer_lowered;
	s6 =	simm.s32 $_tile_overlayer_lowered  }
0x13: {  	s23 =	simm.s32 $0x1BFF;
	s22 =	sshll.u32 s6, $0x1;
	s3 =	sadd.s32 s4, s20  }
0x14: {  	s7 =	simm.s32 $0x0;
	s21 =	sshll.u32 s5, $0x1;
	s5 =	sadd.s32 s22, s3  }
0x15: {  	[timem:s7], [sflag:s23] =	dma.local [hbm:s5], s21  }
0x16: {  	_ =	swait.ge [sflag:s23], s21  }
0x17: {  	s4 =	ssub.s32 $0x0, s21;
	[sflag:s23] =	ssyncset.done $0x0  }
0x18: {  	[sflag:s23] =	ssyncadd.s32 s4;
	_ =	sdelay $0x1  }
0x19: {  	s24 =	simm.s32 $0x1B8B  }
0x1a: {  	_ =	swait.ge [sflag:s24], $0x1  }
0x1b: {  	[sflag:s24] =	ssyncset.done $0x0  }
0x1c: {  	s26 =	simm.s32 $0x1B8E;
	s25 =	sld [smem:$0x3FFE];
	[sflag:s24] =	ssyncadd.s32 $0xFFFFFFFF  }
0x1d: {  	s27 =	simm.s32 $execute0_lowered;
	[smem:$0x3FD2] =	sst s26  }
0x1e: {  	s5 =	sshll.u32 s27, $0x1;
	_ =	strace $0x80000049;
	[dreg:$0x1] =	wrdreg $0xFFFFFFFF  }
0x1f: {  	s28 =	simm.s32 $_size_execute0_lowered;
	s3 =	sadd.s32 s3, s5;
	[dreg:$0x0] =	wrdreg $0x0  }
0x20: {  	s5 =	sshll.u32 s28, $0x1;
	[dreg:$0x2] =	wrdreg s3  }
0x21: {  	[dreg:$0x3] =	wrdreg s5  }
0x22: {  	[dreg:$0x4] =	wrdreg $0xC0  }
0x23: {  	_ =	task [dreg:s7], $0x5FFFF  }
0x24: {  	[dreg:$0x1] =	wrdreg $0xFFFFFFFF  }
0x25: {  	[dreg:$0x0] =	wrdreg $0x60  }
0x26: {  	[dreg:$0x2] =	wrdreg s25  }
0x27: {  	[dreg:$0x3] =	wrdreg s2  }
0x28: {  	[dreg:$0x4] =	wrdreg $0x9  }
0x29: {  	_ =	task.clear_ibuf [dreg:s7], $0x5FFFF;
	_ =	strace $0x90000049  }
0x2a: {  	s29 =	simm.s32 $0x9;
	_ =	strace $0x8000004B  }
0x2b: {  	_ =	swait.ge [sflag:s29], $0x1  }
0x2c: {  	[sflag:s29] =	ssyncadd.s32 $0xFFFFFFFF  }
0x2d: {  	_ =	strace $0x9000004B  }
0x2e: {  	_ =	sfence  }
0x2f: {  	s30 =	sld [smem:$0x0];
	_ =	sdelay $0x2  }
0x30: {  	s31 =	sshll.u32 s1, $0xD;
	s1 =	sshrl.u32 s1, $0x2  }
0x31: {  	s3 =	sand.u32 $0x4000, s31;
	s1 =	sadd.s32 s1, s30  }
0x32: {  	s0 =	sor.u32 s3, s0;
	s1 =	sshll.u32 s1, $0x11  }
0x33: {  	s0 =	sor.u32 s1, s0  }
0x34: {  	s0 =	sadd.s32 $0x8F2B, s0  }
0x35: {  	[sflag:s0] =	ssyncadd.remote.s32 $0x1  }
0x36: {  	_ =	sfence.sel $0xFFFF  }
0x37: {  	[dreg:$0x0] =	wrdreg $0xFFFFFFFF;
	(pc) =	sbr.abs _section_cstart, $3  }
0x38: {  	[dreg:$0x1] =	wrdreg $0xFFFFFFFF  }
0x39: {  	_ =	task.clear_ibuf [dreg:s7], $0x2FFFF;
	_ =	strace $0x9FFFFFFF  }
0x3a: {  	(tm) =	ssettm $0x7FFFFFFF  }
0x3b: {  	_ =	shalt  }
tec
execute0_lowered:
.L_overlay_start_1:
0x0: {  	(tag) =	ssettag $0x1  }
0x1: {  	s0 =	srdreg.scid  }
0x2: {  	s1 =	sshll.u32 s0, $0x4  }
0x3: {  	s4 =	rddreg [dreg:$0x0];
	s0 =	stileid.u32;
	s1 =	sand.u32 $0x10, s1  }
0x4: {  	s2 =	rddreg [dreg:$0x1];
	s7 =	simm.s32 $0x1;
	s1 =	sor.u32 s0, s1  }
0x5: {  	s8 =	simm.s32 $0x2;
	s11 =	simm.s32 $0x0;
	s3 =	sshll.u32 s1, $0x7  }
0x6: {  	s10 =	simm.s32 $0x0;
	s4 =	sadd.s32 $0xA00, s4;
	s6 =	ssub.s32 $0xC8000, s3  }
.Ltmp0:
0x7: {  	s1 =	rddreg [dreg:$0x2];
	s5 =	sand.u32 $0xF80, s6;
	(pc) =	sbr.rel .LBB1_1-.Ltmp0, $4  }
0x8: {  	_ =	strace $0x8000004A;
	s9 =	smov.u32 s3;
	p0 =	sne.s32 s5, $0x0  }
0x9: {  	s6 =	sshrl.u32 s6, $0xC;
	s5 =	simm.s32 $0x1;
	s7 =	simm.s32 @!p0 $0x0  }
0xa: {  	[sflag:s5] =	ssyncpa.u1 $0x0;
	p0 =	por $0x0, $0x0;
	s6 =	sadd.s32 s7, s6  }
0xb: {  	[sflag:s8] =	ssyncpa.u1 $0x0;
	s8 =	simm.s32 $0x640000;
	s7 =	sadd.s32 $0x1, s6  }
.LBB1_4:
0xc: {  	s14 =	sshll.u32 s11, $0x3  }
0xd: {  	s30 =	sand.u32 $0x7F, s11;
	s15 =	sand.u32 $0xFFFFFC00, s14  }
0xe: {  	s11 =	sor.u32 s30, s15  }
0xf: {  	s15 =	smulhi.u32 $0x51EB851F, s11  }
0x10: {  	s14 =	smulhi.u32 $0x51EB851F, s14  }
0x11: {  	s15 =	sshrl.u32 s15, $0x12  }
0x12: {  	s14 =	sshrl.u32 s14, $0x12;
	s15 =	smul.u32 $0xC8000, s15  }
0x13: {  	s14 =	sand.u32 $0x1F, s14  }
0x14: {  	s14 =	smul.u32 $0x19000, s14;
	s11 =	ssub.s32 s11, s15  }
0x15: {  	s15 =	sand.u32 $0x7, s11  }
0x16: {  	s14 =	sadd.s32 s2, s14;
	s11 =	sshrl.u32 s11, $0x3;
	s15 =	sshll.u32 s15, $0x12  }
0x17: {  	[tilespmem:s13+$0x0 ss:$0x81] =	vst.msk $0xffff, v0;
	s11 =	sadd.s32 s11, s14;
	s31 =	sor.u32 $0x400, s15  }
0x18: {  	[hbm4b:s11+s31] =	stream.strided.scatter [tilespmem:s12], [sflag:$0x2], $0x1000, s8, s31, $0x20;
	[tilespmem:$0x4040] =	vst v63  }
.LBB1_5:
0x19: {  	s13 =	sadd.s32 $0x1000, s9  }
0x1a: {  	p2 =	sgt.s32 s13, $0xC7FFF  }
0x1b: {  	s13 =	smov.u32 @p2 s3;
	p2 =	sne.s32 s10, s7  }
.Ltmp1:
0x1c: {  	p1 =	slt.u32 s10, $0x2;
	(pc) =	sbr.rel @!p2 .LBB1_6-.Ltmp1, $4  }
0x1d: {  	s12 =	simm.s32 @!p1 $0x2  }
0x1e: {  	s14 =	sadd.s32 $0x1, s10;
	_ =	swait.ge @!p1 [sflag:s12], $0x1000  }
0x1f: {  	s11 =	smov.u32 s9;
	p0 =	por !p0, !p0;
	[sflag:s12] =	ssyncset.done @!p1 $0x0  }
0x20: {  	s10 =	smov.u32 s14;
	s9 =	smov.u32 s13;
	[sflag:s12] =	ssyncadd.s32 @!p1 $0xFFFFF000  }
.LBB1_1:
0x21: {  	p1 =	sge.u32 s10, s6  }
0x22: {  	s12 =	sand.u32 @!p1 $0x1FFFFFF, s9  }
0x23: {  	s13 =	smulhi.u32 @!p1 $0x147AE15, s12;
	_ =	sdelay $0x1  }
0x24: {  	s13 =	sshrl.u32 @!p1 s13, $0xC  }
0x25: {  	s13 =	smul.u32 @!p1 $0xC8000, s13;
	_ =	sdelay $0x1  }
0x26: {  	s31 =	sadd.s32 $0xFFFFFFFF, s10;
	s14 =	sxor.u32 @!p1 $0xFFFFFFFF, s10;
	s12 =	ssub.s32 @!p1 s12, s13  }
0x27: {  	s15 =	simm.s32 @!p1 $0x80;
	s14 =	sshll.u32 @!p1 s14, $0xC;
	s12 =	sshll.u32 @!p1 s12, $0x4  }
0x28: {  	s13 =	sand.u32 @!p1 $0x1000, s14;
	s14 =	simm.s32 @!p1 $0x20;
	s12 =	sadd.s32 @!p1 s4, s12  }
0x29: {  	[tilespmem:s13], [sflag:$0x1] =	stream.strided.gather @!p1 [hbm4b:s12+s14], $0x1000, s15, s14, $0x38;
	[tilespmem:$0x4040] =	vst v63  }
0x2a: {  	p1 =	sge.u32 s31, s6  }
.Ltmp2:
0x2b: {  	_ = 	snop;
	(pc) =	sbr.rel @p1 .LBB1_5-.Ltmp2, $1  }
0x2c: {  	_ =	sdelay $0x3  }
0x2d: {  	s12 =	simm.s32 $0x1  }
0x2e: {  	_ =	swait.ge [sflag:s5], $0x1000;
	s12 =	simm.s32 @!p0 $0x0  }
0x2f: {  	[sflag:s5] =	ssyncset.done $0x0;
	s13 =	sshll.u32 s12, $0xC  }
0x30: {  	[sflag:s5] =	ssyncadd.s32 $0xFFFFF000;
	s16 =	sor.u32 $0x10, s13  }
0x31: {  	s12 =	smul.u32 $0x4080, s12;
	v1 =	vld [tilespmem:s16+$0x0]  }
0x32: {  	s30 =	sand.u32 $0x1, s10;
	v0 =	vld [tilespmem:s16+$0xFFFFFFF0]  }
0x33: {  	s13 =	smul.u32 $0x4080, s30;
	s12 =	sshrl.u32 s12, $0x2  }
0x34: {  	s14 =	sor.u32 $0x2000, s12  }
0x35: {  	s31 =	sshrl.u32 s13, $0x2;
	s13 =	sadd.s32 $0x0, s14  }
0x36: {  	s15 =	simm.s32 $0x4;
	s16 =	sadd.s32 $0x20, s16;
	s12 =	sor.u32 $0x2000, s31;
	[tilespmem:s13+$0x810 ss:$0x81] =	vst.msk $0xffff, v1  }
.LBB1_3:
0x37: {  	v1 =	vld [tilespmem:s16+$0x0];
	p1 =	sne.s32 s15, $0x1FC;
	[tilespmem:s13+$0x0 ss:$0x81] =	vst.msk $0xffff, v0;
	s13 =	smov.u32 s15;
	s15 =	sadd.s32 $0x4, s15  }
.Ltmp3:
0x38: {  	v0 =	vld [tilespmem:s16+$0xFFFFFFF0];
	(pc) =	sbr.rel @p1 .LBB1_3-.Ltmp3, $4  }
0x39: {  	_ = 	snop  }
0x3a: {  	s13 =	sshra.s32 s13, $0x2  }
0x3b: {  	s13 =	sadd.s32 s13, s14  }
0x3c: {  	s16 =	sadd.s32 $0x20, s16;
	[tilespmem:s13+$0x810 ss:$0x81] =	vst.msk $0xffff, v1  }
.Ltmp4:
0x3d: {  	_ = 	snop;
	(pc) =	sbr.rel .LBB1_4-.Ltmp4, $1  }
0x3e: {  	_ =	sdelay $0x3  }
.LBB1_6:
0x3f: {  	_ =	sfence.sel $0x180000  }
0x40: {  	s2 =	simm.s32 $0x1;
	[bflag:$0x0] =	sbarrier.arrive $0xFFFF  }
0x41: {  	s31 =	simm.s32 $0x2;
	[sflag:s2] =	ssyncpa.u1 $0x1  }
0x42: {  	[sflag:s31] =	ssyncpa.u1 $0x1  }
0x43: {  	p0 =	sne.s32 s0, $0x0;
	_ =	strace $0x9000004A  }
0x44: {  	s0 =	sadd.s32 @!p0 $0x100000, s1;
	[bflag:$0x2] =	sbarrier.arrive $0xFFFF  }
0x45: {  	[sflag:s0] =	ssyncadd.tile.s32 @!p0 $0x1;
	_ =	shalt  }
.Lfunc_end1:
_tile_overlayer_lowered:
.L_overlay_start_2:
0x46: {  	(tag) =	ssettag $0x2  }
0x47: {  	s0 =	rddreg [dreg:$0x0];
	s2 =	stileid.u32  }
0x48: {  	s1 =	rddreg [dreg:$0x1];
	p0 =	sne.s32 s2, $0x0  }
0x49: {  	s3 =	rddreg [dreg:$0x2];
	[bflag:$0x3] =	sbarrier.arrive $0xFFFF;
	s2 =	simm.s32 @!p0 $0x1C01  }
0x4a: {  	[timem:s3], [sflag:s2] =	dma.local @!p0 [hbm:s0], s1  }
0x4b: {  	s0 =	simm.s32 @!p0 $0x1  }
0x4c: {  	_ =	swait.ge @!p0 [sflag:s0], s1  }
0x4d: {  	s1 =	ssub.s32 @!p0 $0x0, s1;
	[sflag:s0] =	ssyncset.done @!p0 $0x0  }
0x4e: {  	[sflag:s0] =	ssyncadd.s32 @!p0 s1  }
0x4f: {  	[bflag:$0x3] =	sbarrier.arrive $0xFFFF  }
0x50: {  	_ =	shalt  }

</sc_bundles>
